<compile_context>
chip_gen: v7x
topology: tpu7x:2x2x1
jax: 0.10.2.dev20260603
libtpu: 0.0.44.dev20260713+nightly
codegen_flags: <defaults>
</compile_context>

<pallas_src>
import functools
import math

import jax
import jax.numpy as jnp
from jax import lax
from jax.experimental import pallas as pl
from jax.experimental.pallas import tpu as pltpu
from jax.experimental.pallas import tpu_sc as plsc

D_MODEL = 64
SCALE = math.sqrt(D_MODEL)

NUM_CORES = 2
NUM_SUBCORES = 16
NW = NUM_CORES * NUM_SUBCORES
CHUNK = 256
NBUF = 4
ROW_PAD = 128

TC_BLOCK = 8192


def _pad_scale_body(wt_ref, out_ref):
    t = (wt_ref[...] * jnp.float32(SCALE)).T
    t3 = t.reshape(TC_BLOCK // 2, 2, D_MODEL)
    out_ref[...] = jnp.concatenate([t3[:, 0, :], t3[:, 1, :]], axis=1)


@functools.cache
def _build_pad_scale(V: int):
    grid = (V + TC_BLOCK - 1) // TC_BLOCK
    return pl.pallas_call(
        _pad_scale_body,
        grid=(grid,),
        in_specs=[pl.BlockSpec((D_MODEL, TC_BLOCK), lambda i: (0, i))],
        out_specs=pl.BlockSpec((TC_BLOCK // 2, 2 * D_MODEL), lambda i: (i, 0)),
        out_shape=jax.ShapeDtypeStruct((V // 2, 2 * D_MODEL), jnp.float32),
    )


@functools.cache
def _build_gather(B: int, V: int):
    assert B % (NW * CHUNK) == 0
    b_per_w = B // NW
    n_chunks = b_per_w // CHUNK
    assert n_chunks % NBUF == 0 and n_chunks >= 2 * NBUF
    mesh = plsc.VectorSubcoreMesh(
        core_axis_name="c", subcore_axis_name="s",
        num_cores=NUM_CORES, num_subcores=NUM_SUBCORES)

    @functools.partial(
        pl.kernel,
        out_type=jax.ShapeDtypeStruct((B, ROW_PAD), jnp.float32),
        mesh=mesh,
        scratch_types=[
            pltpu.VMEM((b_per_w,), jnp.int32),
            [pltpu.VMEM((CHUNK, D_MODEL), jnp.float32)] * NBUF,
            [pltpu.SemaphoreType.DMA] * NBUF,
            [pltpu.SemaphoreType.DMA] * NBUF,
        ],
        compiler_params=pltpu.CompilerParams(use_tc_tiling_on_sc=False),
    )
    def emb(x_hbm, w_hbm, out_hbm, idx_v, rows, gsem, ssem):
        wid = lax.axis_index("s") * NUM_CORES + lax.axis_index("c")
        base = wid * b_per_w

        def gather(g, b):
            pltpu.async_copy(
                w_hbm.at[idx_v.at[pl.ds(g * CHUNK, CHUNK)]], rows[b], gsem[b])

        def wait_gather(b):
            pltpu.make_async_copy(
                w_hbm.at[idx_v.at[pl.ds(0, CHUNK)]], rows[b], gsem[b]).wait()

        def scatter(g, b):
            pltpu.async_copy(
                rows[b],
                out_hbm.at[pl.ds(base + g * CHUNK, CHUNK), pl.ds(0, D_MODEL)],
                ssem[b])

        def wait_scatter(b):
            pltpu.make_async_copy(
                rows[b],
                out_hbm.at[pl.ds(base, CHUNK), pl.ds(0, D_MODEL)],
                ssem[b]).wait()

        pltpu.sync_copy(x_hbm.at[pl.ds(base, b_per_w)], idx_v)

        for b in range(2):
            gather(b, b)

        @pl.loop(0, n_chunks, step=NBUF)
        def _chunks(g0):
            for b in range(NBUF):
                g = g0 + b
                pf = (b + 2) % NBUF
                @pl.when(g + 2 < n_chunks)
                def _():
                    @pl.when(g >= 2)
                    def _():
                        wait_scatter(pf)
                    gather(g + 2, pf)

                wait_gather(b)
                scatter(g, b)

        for b in range(NBUF):
            wait_scatter(b)

    return emb


def kernel(x, weight):
    batch, seq = x.shape
    vocab, _ = weight.shape
    wt = jnp.swapaxes(weight, 0, 1)
    staged = _build_pad_scale(vocab)(wt).reshape(vocab, D_MODEL)
    flat = x.reshape(-1).astype(jnp.int32)
    out = _build_gather(batch * seq, vocab)(flat, staged)
    return out[:, :D_MODEL].reshape(batch, seq, D_MODEL)

# --- scband reference (transcript-rebuilt; emitter-appended) ---
"""Pipeline reference for scband-token-embedding-79929341379078 (READ-ONLY COPY).

The authoritative reference and input builder live on the scoring server;
editing this copy changes nothing except your own understanding.
"""

import jax, jax.numpy as jnp
import numpy as np
import math

VOCAB_SIZE = 1000000
D_MODEL = 64
BATCH = 4096
SEQ_LEN = 200

def setup_inputs(seed: int = 0) -> dict:
    key = jax.random.key(seed)
    k_idx, k_w = jax.random.split(key)
    x = jax.random.randint(k_idx, (BATCH, SEQ_LEN), 0, VOCAB_SIZE, dtype=jnp.int64 if jax.config.jax_enable_x64 else jnp.int32)
    # xavier_uniform init for embedding weight [vocab, d_model]
    bound = math.sqrt(6.0 / (VOCAB_SIZE + D_MODEL))
    weight = jax.random.uniform(k_w, (VOCAB_SIZE, D_MODEL), dtype=jnp.float32, minval=-bound, maxval=bound)
    return {"x": x, "weight": weight}

def reference(x, weight):
    # embedding lookup (gather) -> scale by sqrt(d_model)
    emb = jnp.take(weight, x, axis=0)  # [B, S, d_model]
    return emb * math.sqrt(D_MODEL)

if __name__ == "__main__":
    import jax
    _d = setup_inputs()
    print(jax.jit(kernel)(*tuple(_d.values())))

</pallas_src>

<mosaic_0001>
#map = affine_map<(d0, d1) -> (0)>
#map1 = affine_map<(d0, d1) -> (0, 0)>
module attributes {stable_mosaic.version = 14 : i64} {
  func.func @emb(%arg0: i32, %arg1: i32, %arg2: memref<819200xi32, #tpu.memory_space<hbm>>, %arg3: memref<1000000x64xf32, #tpu.memory_space<hbm>>, %arg4: memref<819200x128xf32, #tpu.memory_space<hbm>>, %arg5: memref<25600xi32, #tpu.memory_space<vmem>>, %arg6: memref<256x64xf32, #tpu.memory_space<vmem>>, %arg7: memref<256x64xf32, #tpu.memory_space<vmem>>, %arg8: memref<256x64xf32, #tpu.memory_space<vmem>>, %arg9: memref<256x64xf32, #tpu.memory_space<vmem>>, %arg10: memref<!tpu.dma_semaphore, #tpu.memory_space<semaphore_mem>>, %arg11: memref<!tpu.dma_semaphore, #tpu.memory_space<semaphore_mem>>, %arg12: memref<!tpu.dma_semaphore, #tpu.memory_space<semaphore_mem>>, %arg13: memref<!tpu.dma_semaphore, #tpu.memory_space<semaphore_mem>>, %arg14: memref<!tpu.dma_semaphore, #tpu.memory_space<semaphore_mem>>, %arg15: memref<!tpu.dma_semaphore, #tpu.memory_space<semaphore_mem>>, %arg16: memref<!tpu.dma_semaphore, #tpu.memory_space<semaphore_mem>>, %arg17: memref<!tpu.dma_semaphore, #tpu.memory_space<semaphore_mem>>) attributes {dimension_semantics = [#tpu.dimension_semantics<core_parallel>, #tpu.dimension_semantics<subcore_parallel>], iteration_bounds = array<i64: 2, 16>, scalar_prefetch = 0 : i64, scratch_operands = 13 : i64, tpu.core_type = #tpu.core_type<sc_vector_subcore>, window_params = [{transform_indices = #map}, {transform_indices = #map1}, {transform_indices = #map1}]} {
    %mul3A = arith.constant 2 : i32
    %mul3A_0 = arith.muli %arg1, %mul3A : i32
    %add3A = arith.addi %mul3A_0, %arg0 : i32
    %mul3A_1 = arith.constant 25600 : i32
    %mul3A_2 = arith.muli %add3A, %mul3A_1 : i32
    "tpu.region"() ({
      %run_scoped3A = tpu.sem_alloc : memref<!tpu.dma_semaphore, #tpu.memory_space<semaphore_mem>>
      %dma_start3A_31 = tpu.memref_slice %arg2[%mul3A_2] : memref<819200xi32, #tpu.memory_space<hbm>> -> memref<25600xi32, #tpu.memory_space<hbm>>
      %dma_start3A_32 = tpu.memref_slice %arg2[%mul3A_2] : memref<819200xi32, #tpu.memory_space<hbm>> -> memref<25600xi32, #tpu.memory_space<hbm>>
      tpu.enqueue_dma source(%dma_start3A_32 : memref<25600xi32, #tpu.memory_space<hbm>>) target(%arg5 : memref<25600xi32, #tpu.memory_space<vmem>>) target_semaphore(%run_scoped3A : memref<!tpu.dma_semaphore, #tpu.memory_space<semaphore_mem>>)
      %dma_wait3A_33 = tpu.memref_slice %arg2[%mul3A_2] : memref<819200xi32, #tpu.memory_space<hbm>> -> memref<25600xi32, #tpu.memory_space<hbm>>
      %dma_wait3A_34 = tpu.memref_slice %arg2[%mul3A_2] : memref<819200xi32, #tpu.memory_space<hbm>> -> memref<25600xi32, #tpu.memory_space<hbm>>
      tpu.wait_dma2 semaphore(%run_scoped3A : memref<!tpu.dma_semaphore, #tpu.memory_space<semaphore_mem>>) src(%dma_wait3A_34 : memref<25600xi32, #tpu.memory_space<hbm>>) dst(%arg5 : memref<25600xi32, #tpu.memory_space<vmem>>)
      tpu.yield
    }) : () -> ()
    %dma_start3A = arith.constant 0 : i32
    %dma_start3A_3 = tpu.memref_slice %arg5[%dma_start3A] : memref<25600xi32, #tpu.memory_space<vmem>> -> memref<256xi32, #tpu.memory_space<vmem>>
    %dma_start3A_4 = arith.constant 0 : i32
    %dma_start3A_5 = arith.constant 0 : i32
    %dma_start3A_6 = tpu.memref_slice %arg3[%dma_start3A_4, %dma_start3A_5] : memref<1000000x64xf32, #tpu.memory_space<hbm>> -> memref<1000000x64xf32, #tpu.memory_space<hbm>>
    tpu.enqueue_indirect_dma source(%dma_start3A_6 : memref<1000000x64xf32, #tpu.memory_space<hbm>>) target(%arg6 : memref<256x64xf32, #tpu.memory_space<vmem>>) offsets(%dma_start3A_3 : memref<256xi32, #tpu.memory_space<vmem>>) semaphore(%arg10 : memref<!tpu.dma_semaphore, #tpu.memory_space<semaphore_mem>>)
    %dma_start3A_7 = arith.constant 256 : i32
    %dma_start3A_8 = tpu.memref_slice %arg5[%dma_start3A_7] : memref<25600xi32, #tpu.memory_space<vmem>> -> memref<256xi32, #tpu.memory_space<vmem>>
    %dma_start3A_9 = arith.constant 0 : i32
    %dma_start3A_10 = arith.constant 0 : i32
    %dma_start3A_11 = tpu.memref_slice %arg3[%dma_start3A_9, %dma_start3A_10] : memref<1000000x64xf32, #tpu.memory_space<hbm>> -> memref<1000000x64xf32, #tpu.memory_space<hbm>>
    tpu.enqueue_indirect_dma source(%dma_start3A_11 : memref<1000000x64xf32, #tpu.memory_space<hbm>>) target(%arg7 : memref<256x64xf32, #tpu.memory_space<vmem>>) offsets(%dma_start3A_8 : memref<256xi32, #tpu.memory_space<vmem>>) semaphore(%arg11 : memref<!tpu.dma_semaphore, #tpu.memory_space<semaphore_mem>>)
    %scan3A = arith.constant 0 : i32
    %scan3A_12 = arith.constant 25 : i32
    %scan3A_13 = arith.addi %scan3A, %scan3A_12 : i32
    %scan3A_14 = arith.constant 1 : i32
    scf.for %scan3A_31 = %scan3A to %scan3A_13 step %scan3A_14  : i32 {
      %mul3A_32 = arith.constant 4 : i32
      %mul3A_33 = arith.muli %scan3A_31, %mul3A_32 : i32
      %add3A_34 = arith.constant 0 : i32
      %add3A_35 = arith.addi %add3A_34, %mul3A_33 : i32
      %add3A_36 = arith.constant 0 : i32
      %add3A_37 = arith.addi %add3A_35, %add3A_36 : i32
      %add3A_38 = arith.constant 2 : i32
      %add3A_39 = arith.addi %add3A_37, %add3A_38 : i32
      %lt3A = arith.constant 100 : i32
      %lt3A_40 = arith.cmpi slt, %add3A_39, %lt3A : i32
      %convert_element_type3A = arith.extui %lt3A_40 : i1 to i32
      %cond3A = arith.constant 0 : i32
      %cond3A_41 = arith.cmpi ne, %convert_element_type3A, %cond3A : i32
      scf.if %cond3A_41 {
        %ge3A = arith.constant 2 : i32
        %ge3A_117 = arith.cmpi sge, %add3A_37, %ge3A : i32
        %convert_element_type3A_118 = arith.extui %ge3A_117 : i1 to i32
        %cond3A_119 = arith.constant 0 : i32
        %cond3A_120 = arith.cmpi ne, %convert_element_type3A_118, %cond3A_119 : i32
        scf.if %cond3A_120 {
          %dma_wait3A_129 = arith.constant 0 : i32
          %dma_wait3A_130 = tpu.memref_slice %arg4[%mul3A_2, %dma_wait3A_129] : memref<819200x128xf32, #tpu.memory_space<hbm>> -> memref<256x64xf32, #tpu.memory_space<hbm>>
          %dma_wait3A_131 = arith.constant 0 : i32
          %dma_wait3A_132 = tpu.memref_slice %arg4[%mul3A_2, %dma_wait3A_131] : memref<819200x128xf32, #tpu.memory_space<hbm>> -> memref<256x64xf32, #tpu.memory_space<hbm>>
          tpu.wait_dma2 semaphore(%arg16 : memref<!tpu.dma_semaphore, #tpu.memory_space<semaphore_mem>>) src(%arg8 : memref<256x64xf32, #tpu.memory_space<vmem>>) dst(%dma_wait3A_132 : memref<256x64xf32, #tpu.memory_space<hbm>>)
        } else {
        }
        %add3A_121 = arith.constant 2 : i32
        %add3A_122 = arith.addi %add3A_37, %add3A_121 : i32
        %mul3A_123 = arith.constant 256 : i32
        %mul3A_124 = arith.muli %add3A_122, %mul3A_123 : i32
        %dma_start3A_125 = tpu.memref_slice %arg5[%mul3A_124] : memref<25600xi32, #tpu.memory_space<vmem>> -> memref<256xi32, #tpu.memory_space<vmem>>
        %dma_start3A_126 = arith.constant 0 : i32
        %dma_start3A_127 = arith.constant 0 : i32
        %dma_start3A_128 = tpu.memref_slice %arg3[%dma_start3A_126, %dma_start3A_127] : memref<1000000x64xf32, #tpu.memory_space<hbm>> -> memref<1000000x64xf32, #tpu.memory_space<hbm>>
        tpu.enqueue_indirect_dma source(%dma_start3A_128 : memref<1000000x64xf32, #tpu.memory_space<hbm>>) target(%arg8 : memref<256x64xf32, #tpu.memory_space<vmem>>) offsets(%dma_start3A_125 : memref<256xi32, #tpu.memory_space<vmem>>) semaphore(%arg12 : memref<!tpu.dma_semaphore, #tpu.memory_space<semaphore_mem>>)
      } else {
      }
      %dma_wait3A_42 = arith.constant 0 : i32
      %dma_wait3A_43 = tpu.memref_slice %arg5[%dma_wait3A_42] : memref<25600xi32, #tpu.memory_space<vmem>> -> memref<256xi32, #tpu.memory_space<vmem>>
      %dma_wait3A_44 = arith.constant 0 : i32
      %dma_wait3A_45 = arith.constant 0 : i32
      %dma_wait3A_46 = tpu.memref_slice %arg3[%dma_wait3A_44, %dma_wait3A_45] : memref<1000000x64xf32, #tpu.memory_space<hbm>> -> memref<1000000x64xf32, #tpu.memory_space<hbm>>
      tpu.wait_indirect_dma semaphore(%arg10 : memref<!tpu.dma_semaphore, #tpu.memory_space<semaphore_mem>>) src(%dma_wait3A_46 : memref<1000000x64xf32, #tpu.memory_space<hbm>>) dst(%arg6 : memref<256x64xf32, #tpu.memory_space<vmem>>)
      %mul3A_47 = arith.constant 256 : i32
      %mul3A_48 = arith.muli %add3A_37, %mul3A_47 : i32
      %add3A_49 = arith.addi %mul3A_2, %mul3A_48 : i32
      %dma_start3A_50 = arith.constant 0 : i32
      %dma_start3A_51 = tpu.memref_slice %arg4[%add3A_49, %dma_start3A_50] : memref<819200x128xf32, #tpu.memory_space<hbm>> -> memref<256x64xf32, #tpu.memory_space<hbm>>
      %dma_start3A_52 = arith.constant 0 : i32
      %dma_start3A_53 = tpu.memref_slice %arg4[%add3A_49, %dma_start3A_52] : memref<819200x128xf32, #tpu.memory_space<hbm>> -> memref<256x64xf32, #tpu.memory_space<hbm>>
      tpu.enqueue_dma source(%arg6 : memref<256x64xf32, #tpu.memory_space<vmem>>) target(%dma_start3A_53 : memref<256x64xf32, #tpu.memory_space<hbm>>) target_semaphore(%arg14 : memref<!tpu.dma_semaphore, #tpu.memory_space<semaphore_mem>>)
      %add3A_54 = arith.constant 1 : i32
      %add3A_55 = arith.addi %add3A_35, %add3A_54 : i32
      %add3A_56 = arith.constant 2 : i32
      %add3A_57 = arith.addi %add3A_55, %add3A_56 : i32
      %lt3A_58 = arith.constant 100 : i32
      %lt3A_59 = arith.cmpi slt, %add3A_57, %lt3A_58 : i32
      %convert_element_type3A_60 = arith.extui %lt3A_59 : i1 to i32
      %cond3A_61 = arith.constant 0 : i32
      %cond3A_62 = arith.cmpi ne, %convert_element_type3A_60, %cond3A_61 : i32
      scf.if %cond3A_62 {
        %ge3A = arith.constant 2 : i32
        %ge3A_117 = arith.cmpi sge, %add3A_55, %ge3A : i32
        %convert_element_type3A_118 = arith.extui %ge3A_117 : i1 to i32
        %cond3A_119 = arith.constant 0 : i32
        %cond3A_120 = arith.cmpi ne, %convert_element_type3A_118, %cond3A_119 : i32
        scf.if %cond3A_120 {
          %dma_wait3A_129 = arith.constant 0 : i32
          %dma_wait3A_130 = tpu.memref_slice %arg4[%mul3A_2, %dma_wait3A_129] : memref<819200x128xf32, #tpu.memory_space<hbm>> -> memref<256x64xf32, #tpu.memory_space<hbm>>
          %dma_wait3A_131 = arith.constant 0 : i32
          %dma_wait3A_132 = tpu.memref_slice %arg4[%mul3A_2, %dma_wait3A_131] : memref<819200x128xf32, #tpu.memory_space<hbm>> -> memref<256x64xf32, #tpu.memory_space<hbm>>
          tpu.wait_dma2 semaphore(%arg17 : memref<!tpu.dma_semaphore, #tpu.memory_space<semaphore_mem>>) src(%arg9 : memref<256x64xf32, #tpu.memory_space<vmem>>) dst(%dma_wait3A_132 : memref<256x64xf32, #tpu.memory_space<hbm>>)
        } else {
        }
        %add3A_121 = arith.constant 2 : i32
        %add3A_122 = arith.addi %add3A_55, %add3A_121 : i32
        %mul3A_123 = arith.constant 256 : i32
        %mul3A_124 = arith.muli %add3A_122, %mul3A_123 : i32
        %dma_start3A_125 = tpu.memref_slice %arg5[%mul3A_124] : memref<25600xi32, #tpu.memory_space<vmem>> -> memref<256xi32, #tpu.memory_space<vmem>>
        %dma_start3A_126 = arith.constant 0 : i32
        %dma_start3A_127 = arith.constant 0 : i32
        %dma_start3A_128 = tpu.memref_slice %arg3[%dma_start3A_126, %dma_start3A_127] : memref<1000000x64xf32, #tpu.memory_space<hbm>> -> memref<1000000x64xf32, #tpu.memory_space<hbm>>
        tpu.enqueue_indirect_dma source(%dma_start3A_128 : memref<1000000x64xf32, #tpu.memory_space<hbm>>) target(%arg9 : memref<256x64xf32, #tpu.memory_space<vmem>>) offsets(%dma_start3A_125 : memref<256xi32, #tpu.memory_space<vmem>>) semaphore(%arg13 : memref<!tpu.dma_semaphore, #tpu.memory_space<semaphore_mem>>)
      } else {
      }
      %dma_wait3A_63 = arith.constant 0 : i32
      %dma_wait3A_64 = tpu.memref_slice %arg5[%dma_wait3A_63] : memref<25600xi32, #tpu.memory_space<vmem>> -> memref<256xi32, #tpu.memory_space<vmem>>
      %dma_wait3A_65 = arith.constant 0 : i32
      %dma_wait3A_66 = arith.constant 0 : i32
      %dma_wait3A_67 = tpu.memref_slice %arg3[%dma_wait3A_65, %dma_wait3A_66] : memref<1000000x64xf32, #tpu.memory_space<hbm>> -> memref<1000000x64xf32, #tpu.memory_space<hbm>>
      tpu.wait_indirect_dma semaphore(%arg11 : memref<!tpu.dma_semaphore, #tpu.memory_space<semaphore_mem>>) src(%dma_wait3A_67 : memref<1000000x64xf32, #tpu.memory_space<hbm>>) dst(%arg7 : memref<256x64xf32, #tpu.memory_space<vmem>>)
      %mul3A_68 = arith.constant 256 : i32
      %mul3A_69 = arith.muli %add3A_55, %mul3A_68 : i32
      %add3A_70 = arith.addi %mul3A_2, %mul3A_69 : i32
      %dma_start3A_71 = arith.constant 0 : i32
      %dma_start3A_72 = tpu.memref_slice %arg4[%add3A_70, %dma_start3A_71] : memref<819200x128xf32, #tpu.memory_space<hbm>> -> memref<256x64xf32, #tpu.memory_space<hbm>>
      %dma_start3A_73 = arith.constant 0 : i32
      %dma_start3A_74 = tpu.memref_slice %arg4[%add3A_70, %dma_start3A_73] : memref<819200x128xf32, #tpu.memory_space<hbm>> -> memref<256x64xf32, #tpu.memory_space<hbm>>
      tpu.enqueue_dma source(%arg7 : memref<256x64xf32, #tpu.memory_space<vmem>>) target(%dma_start3A_74 : memref<256x64xf32, #tpu.memory_space<hbm>>) target_semaphore(%arg15 : memref<!tpu.dma_semaphore, #tpu.memory_space<semaphore_mem>>)
      %add3A_75 = arith.constant 2 : i32
      %add3A_76 = arith.addi %add3A_35, %add3A_75 : i32
      %add3A_77 = arith.constant 2 : i32
      %add3A_78 = arith.addi %add3A_76, %add3A_77 : i32
      %lt3A_79 = arith.constant 100 : i32
      %lt3A_80 = arith.cmpi slt, %add3A_78, %lt3A_79 : i32
      %convert_element_type3A_81 = arith.extui %lt3A_80 : i1 to i32
      %cond3A_82 = arith.constant 0 : i32
      %cond3A_83 = arith.cmpi ne, %convert_element_type3A_81, %cond3A_82 : i32
      scf.if %cond3A_83 {
        %ge3A = arith.constant 2 : i32
        %ge3A_117 = arith.cmpi sge, %add3A_76, %ge3A : i32
        %convert_element_type3A_118 = arith.extui %ge3A_117 : i1 to i32
        %cond3A_119 = arith.constant 0 : i32
        %cond3A_120 = arith.cmpi ne, %convert_element_type3A_118, %cond3A_119 : i32
        scf.if %cond3A_120 {
          %dma_wait3A_129 = arith.constant 0 : i32
          %dma_wait3A_130 = tpu.memref_slice %arg4[%mul3A_2, %dma_wait3A_129] : memref<819200x128xf32, #tpu.memory_space<hbm>> -> memref<256x64xf32, #tpu.memory_space<hbm>>
          %dma_wait3A_131 = arith.constant 0 : i32
          %dma_wait3A_132 = tpu.memref_slice %arg4[%mul3A_2, %dma_wait3A_131] : memref<819200x128xf32, #tpu.memory_space<hbm>> -> memref<256x64xf32, #tpu.memory_space<hbm>>
          tpu.wait_dma2 semaphore(%arg14 : memref<!tpu.dma_semaphore, #tpu.memory_space<semaphore_mem>>) src(%arg6 : memref<256x64xf32, #tpu.memory_space<vmem>>) dst(%dma_wait3A_132 : memref<256x64xf32, #tpu.memory_space<hbm>>)
        } else {
        }
        %add3A_121 = arith.constant 2 : i32
        %add3A_122 = arith.addi %add3A_76, %add3A_121 : i32
        %mul3A_123 = arith.constant 256 : i32
        %mul3A_124 = arith.muli %add3A_122, %mul3A_123 : i32
        %dma_start3A_125 = tpu.memref_slice %arg5[%mul3A_124] : memref<25600xi32, #tpu.memory_space<vmem>> -> memref<256xi32, #tpu.memory_space<vmem>>
        %dma_start3A_126 = arith.constant 0 : i32
        %dma_start3A_127 = arith.constant 0 : i32
        %dma_start3A_128 = tpu.memref_slice %arg3[%dma_start3A_126, %dma_start3A_127] : memref<1000000x64xf32, #tpu.memory_space<hbm>> -> memref<1000000x64xf32, #tpu.memory_space<hbm>>
        tpu.enqueue_indirect_dma source(%dma_start3A_128 : memref<1000000x64xf32, #tpu.memory_space<hbm>>) target(%arg6 : memref<256x64xf32, #tpu.memory_space<vmem>>) offsets(%dma_start3A_125 : memref<256xi32, #tpu.memory_space<vmem>>) semaphore(%arg10 : memref<!tpu.dma_semaphore, #tpu.memory_space<semaphore_mem>>)
      } else {
      }
      %dma_wait3A_84 = arith.constant 0 : i32
      %dma_wait3A_85 = tpu.memref_slice %arg5[%dma_wait3A_84] : memref<25600xi32, #tpu.memory_space<vmem>> -> memref<256xi32, #tpu.memory_space<vmem>>
      %dma_wait3A_86 = arith.constant 0 : i32
      %dma_wait3A_87 = arith.constant 0 : i32
      %dma_wait3A_88 = tpu.memref_slice %arg3[%dma_wait3A_86, %dma_wait3A_87] : memref<1000000x64xf32, #tpu.memory_space<hbm>> -> memref<1000000x64xf32, #tpu.memory_space<hbm>>
      tpu.wait_indirect_dma semaphore(%arg12 : memref<!tpu.dma_semaphore, #tpu.memory_space<semaphore_mem>>) src(%dma_wait3A_88 : memref<1000000x64xf32, #tpu.memory_space<hbm>>) dst(%arg8 : memref<256x64xf32, #tpu.memory_space<vmem>>)
      %mul3A_89 = arith.constant 256 : i32
      %mul3A_90 = arith.muli %add3A_76, %mul3A_89 : i32
      %add3A_91 = arith.addi %mul3A_2, %mul3A_90 : i32
      %dma_start3A_92 = arith.constant 0 : i32
      %dma_start3A_93 = tpu.memref_slice %arg4[%add3A_91, %dma_start3A_92] : memref<819200x128xf32, #tpu.memory_space<hbm>> -> memref<256x64xf32, #tpu.memory_space<hbm>>
      %dma_start3A_94 = arith.constant 0 : i32
      %dma_start3A_95 = tpu.memref_slice %arg4[%add3A_91, %dma_start3A_94] : memref<819200x128xf32, #tpu.memory_space<hbm>> -> memref<256x64xf32, #tpu.memory_space<hbm>>
      tpu.enqueue_dma source(%arg8 : memref<256x64xf32, #tpu.memory_space<vmem>>) target(%dma_start3A_95 : memref<256x64xf32, #tpu.memory_space<hbm>>) target_semaphore(%arg16 : memref<!tpu.dma_semaphore, #tpu.memory_space<semaphore_mem>>)
      %add3A_96 = arith.constant 3 : i32
      %add3A_97 = arith.addi %add3A_35, %add3A_96 : i32
      %add3A_98 = arith.constant 2 : i32
      %add3A_99 = arith.addi %add3A_97, %add3A_98 : i32
      %lt3A_100 = arith.constant 100 : i32
      %lt3A_101 = arith.cmpi slt, %add3A_99, %lt3A_100 : i32
      %convert_element_type3A_102 = arith.extui %lt3A_101 : i1 to i32
      %cond3A_103 = arith.constant 0 : i32
      %cond3A_104 = arith.cmpi ne, %convert_element_type3A_102, %cond3A_103 : i32
      scf.if %cond3A_104 {
        %ge3A = arith.constant 2 : i32
        %ge3A_117 = arith.cmpi sge, %add3A_97, %ge3A : i32
        %convert_element_type3A_118 = arith.extui %ge3A_117 : i1 to i32
        %cond3A_119 = arith.constant 0 : i32
        %cond3A_120 = arith.cmpi ne, %convert_element_type3A_118, %cond3A_119 : i32
        scf.if %cond3A_120 {
          %dma_wait3A_129 = arith.constant 0 : i32
          %dma_wait3A_130 = tpu.memref_slice %arg4[%mul3A_2, %dma_wait3A_129] : memref<819200x128xf32, #tpu.memory_space<hbm>> -> memref<256x64xf32, #tpu.memory_space<hbm>>
          %dma_wait3A_131 = arith.constant 0 : i32
          %dma_wait3A_132 = tpu.memref_slice %arg4[%mul3A_2, %dma_wait3A_131] : memref<819200x128xf32, #tpu.memory_space<hbm>> -> memref<256x64xf32, #tpu.memory_space<hbm>>
          tpu.wait_dma2 semaphore(%arg15 : memref<!tpu.dma_semaphore, #tpu.memory_space<semaphore_mem>>) src(%arg7 : memref<256x64xf32, #tpu.memory_space<vmem>>) dst(%dma_wait3A_132 : memref<256x64xf32, #tpu.memory_space<hbm>>)
        } else {
        }
        %add3A_121 = arith.constant 2 : i32
        %add3A_122 = arith.addi %add3A_97, %add3A_121 : i32
        %mul3A_123 = arith.constant 256 : i32
        %mul3A_124 = arith.muli %add3A_122, %mul3A_123 : i32
        %dma_start3A_125 = tpu.memref_slice %arg5[%mul3A_124] : memref<25600xi32, #tpu.memory_space<vmem>> -> memref<256xi32, #tpu.memory_space<vmem>>
        %dma_start3A_126 = arith.constant 0 : i32
        %dma_start3A_127 = arith.constant 0 : i32
        %dma_start3A_128 = tpu.memref_slice %arg3[%dma_start3A_126, %dma_start3A_127] : memref<1000000x64xf32, #tpu.memory_space<hbm>> -> memref<1000000x64xf32, #tpu.memory_space<hbm>>
        tpu.enqueue_indirect_dma source(%dma_start3A_128 : memref<1000000x64xf32, #tpu.memory_space<hbm>>) target(%arg7 : memref<256x64xf32, #tpu.memory_space<vmem>>) offsets(%dma_start3A_125 : memref<256xi32, #tpu.memory_space<vmem>>) semaphore(%arg11 : memref<!tpu.dma_semaphore, #tpu.memory_space<semaphore_mem>>)
      } else {
      }
      %dma_wait3A_105 = arith.constant 0 : i32
      %dma_wait3A_106 = tpu.memref_slice %arg5[%dma_wait3A_105] : memref<25600xi32, #tpu.memory_space<vmem>> -> memref<256xi32, #tpu.memory_space<vmem>>
      %dma_wait3A_107 = arith.constant 0 : i32
      %dma_wait3A_108 = arith.constant 0 : i32
      %dma_wait3A_109 = tpu.memref_slice %arg3[%dma_wait3A_107, %dma_wait3A_108] : memref<1000000x64xf32, #tpu.memory_space<hbm>> -> memref<1000000x64xf32, #tpu.memory_space<hbm>>
      tpu.wait_indirect_dma semaphore(%arg13 : memref<!tpu.dma_semaphore, #tpu.memory_space<semaphore_mem>>) src(%dma_wait3A_109 : memref<1000000x64xf32, #tpu.memory_space<hbm>>) dst(%arg9 : memref<256x64xf32, #tpu.memory_space<vmem>>)
      %mul3A_110 = arith.constant 256 : i32
      %mul3A_111 = arith.muli %add3A_97, %mul3A_110 : i32
      %add3A_112 = arith.addi %mul3A_2, %mul3A_111 : i32
      %dma_start3A_113 = arith.constant 0 : i32
      %dma_start3A_114 = tpu.memref_slice %arg4[%add3A_112, %dma_start3A_113] : memref<819200x128xf32, #tpu.memory_space<hbm>> -> memref<256x64xf32, #tpu.memory_space<hbm>>
      %dma_start3A_115 = arith.constant 0 : i32
      %dma_start3A_116 = tpu.memref_slice %arg4[%add3A_112, %dma_start3A_115] : memref<819200x128xf32, #tpu.memory_space<hbm>> -> memref<256x64xf32, #tpu.memory_space<hbm>>
      tpu.enqueue_dma source(%arg9 : memref<256x64xf32, #tpu.memory_space<vmem>>) target(%dma_start3A_116 : memref<256x64xf32, #tpu.memory_space<hbm>>) target_semaphore(%arg17 : memref<!tpu.dma_semaphore, #tpu.memory_space<semaphore_mem>>)
    }
    %scan3A_15 = arith.constant 25 : i32
    %dma_wait3A = arith.constant 0 : i32
    %dma_wait3A_16 = tpu.memref_slice %arg4[%mul3A_2, %dma_wait3A] : memref<819200x128xf32, #tpu.memory_space<hbm>> -> memref<256x64xf32, #tpu.memory_space<hbm>>
    %dma_wait3A_17 = arith.constant 0 : i32
    %dma_wait3A_18 = tpu.memref_slice %arg4[%mul3A_2, %dma_wait3A_17] : memref<819200x128xf32, #tpu.memory_space<hbm>> -> memref<256x64xf32, #tpu.memory_space<hbm>>
    tpu.wait_dma2 semaphore(%arg14 : memref<!tpu.dma_semaphore, #tpu.memory_space<semaphore_mem>>) src(%arg6 : memref<256x64xf32, #tpu.memory_space<vmem>>) dst(%dma_wait3A_18 : memref<256x64xf32, #tpu.memory_space<hbm>>)
    %dma_wait3A_19 = arith.constant 0 : i32
    %dma_wait3A_20 = tpu.memref_slice %arg4[%mul3A_2, %dma_wait3A_19] : memref<819200x128xf32, #tpu.memory_space<hbm>> -> memref<256x64xf32, #tpu.memory_space<hbm>>
    %dma_wait3A_21 = arith.constant 0 : i32
    %dma_wait3A_22 = tpu.memref_slice %arg4[%mul3A_2, %dma_wait3A_21] : memref<819200x128xf32, #tpu.memory_space<hbm>> -> memref<256x64xf32, #tpu.memory_space<hbm>>
    tpu.wait_dma2 semaphore(%arg15 : memref<!tpu.dma_semaphore, #tpu.memory_space<semaphore_mem>>) src(%arg7 : memref<256x64xf32, #tpu.memory_space<vmem>>) dst(%dma_wait3A_22 : memref<256x64xf32, #tpu.memory_space<hbm>>)
    %dma_wait3A_23 = arith.constant 0 : i32
    %dma_wait3A_24 = tpu.memref_slice %arg4[%mul3A_2, %dma_wait3A_23] : memref<819200x128xf32, #tpu.memory_space<hbm>> -> memref<256x64xf32, #tpu.memory_space<hbm>>
    %dma_wait3A_25 = arith.constant 0 : i32
    %dma_wait3A_26 = tpu.memref_slice %arg4[%mul3A_2, %dma_wait3A_25] : memref<819200x128xf32, #tpu.memory_space<hbm>> -> memref<256x64xf32, #tpu.memory_space<hbm>>
    tpu.wait_dma2 semaphore(%arg16 : memref<!tpu.dma_semaphore, #tpu.memory_space<semaphore_mem>>) src(%arg8 : memref<256x64xf32, #tpu.memory_space<vmem>>) dst(%dma_wait3A_26 : memref<256x64xf32, #tpu.memory_space<hbm>>)
    %dma_wait3A_27 = arith.constant 0 : i32
    %dma_wait3A_28 = tpu.memref_slice %arg4[%mul3A_2, %dma_wait3A_27] : memref<819200x128xf32, #tpu.memory_space<hbm>> -> memref<256x64xf32, #tpu.memory_space<hbm>>
    %dma_wait3A_29 = arith.constant 0 : i32
    %dma_wait3A_30 = tpu.memref_slice %arg4[%mul3A_2, %dma_wait3A_29] : memref<819200x128xf32, #tpu.memory_space<hbm>> -> memref<256x64xf32, #tpu.memory_space<hbm>>
    tpu.wait_dma2 semaphore(%arg17 : memref<!tpu.dma_semaphore, #tpu.memory_space<semaphore_mem>>) src(%arg9 : memref<256x64xf32, #tpu.memory_space<vmem>>) dst(%dma_wait3A_30 : memref<256x64xf32, #tpu.memory_space<hbm>>)
    return
  }
}

module attributes {stable_mosaic.version = 14 : i64} {
  func.func @_pad_scale_body(%arg0: i32, %arg1: memref<64x8192xf32, #tpu.memory_space<vmem>>, %arg2: memref<4096x128xf32, #tpu.memory_space<vmem>>) attributes {dimension_semantics = [#tpu.dimension_semantics<arbitrary>], iteration_bounds = array<i64: 123>, scalar_prefetch = 0 : i64, scratch_operands = 0 : i64, tpu.core_type = #tpu.core_type<tc>, window_params = [{transform_indices = @transform_0, window_bounds = array<i64: 64, 8192>}, {transform_indices = @transform_1, window_bounds = array<i64: 4096, 128>}]} {
    %get3A = arith.constant 0 : index
    %get3A_0 = arith.constant 0 : index
    %get3A_1 = vector.load %arg1[%get3A, %get3A_0] : memref<64x8192xf32, #tpu.memory_space<vmem>>, vector<64x8192xf32>
    %mul3A = arith.constant 8.000000e+00 : f32
    %mul3A_2 = vector.broadcast %mul3A : f32 to vector<64x8192xf32>
    %mul3A_3 = arith.mulf %get3A_1, %mul3A_2 : vector<64x8192xf32>
    %transpose3A = tpu.transpose %mul3A_3, [1, 0] : vector<64x8192xf32> -> vector<8192x64xf32>
    %reshape3A = vector.shape_cast %transpose3A : vector<8192x64xf32> to vector<4096x2x64xf32>
    %slice3A = vector.extract_strided_slice %reshape3A {offsets = [0, 0, 0], sizes = [4096, 1, 64], strides = [1, 1, 1]} : vector<4096x2x64xf32> to vector<4096x1x64xf32>
    %squeeze3A = vector.shape_cast %slice3A : vector<4096x1x64xf32> to vector<4096x64xf32>
    %slice3A_4 = vector.extract_strided_slice %reshape3A {offsets = [0, 1, 0], sizes = [4096, 1, 64], strides = [1, 1, 1]} : vector<4096x2x64xf32> to vector<4096x1x64xf32>
    %squeeze3A_5 = vector.shape_cast %slice3A_4 : vector<4096x1x64xf32> to vector<4096x64xf32>
    %concatenate3A = tpu.concatenate %squeeze3A, %squeeze3A_5 in 1 : vector<4096x64xf32>, vector<4096x64xf32> -> vector<4096x128xf32>
    %swap3A = arith.constant 0 : index
    %swap3A_6 = arith.constant 0 : index
    %swap3A_7 = vector.load %arg2[%swap3A, %swap3A_6] : memref<4096x128xf32, #tpu.memory_space<vmem>>, vector<4096x128xf32>
    tpu.vector_store %arg2[%swap3A, %swap3A_6], %concatenate3A {strides = array<i32>} : memref<4096x128xf32, #tpu.memory_space<vmem>>, vector<4096x128xf32>,
    return
  }
  func.func @transform_0(%arg0: i32) -> (i32, i32) {
    %c0_i32 = arith.constant 0 : i32
    %c0_i32_0 = arith.constant 0 : i32
    return %c0_i32, %arg0 : i32, i32
  }
  func.func @transform_1(%arg0: i32) -> (i32, i32) {
    %c0_i32 = arith.constant 0 : i32
    %c0_i32_0 = arith.constant 0 : i32
    return %arg0, %c0_i32 : i32, i32
  }
}

</mosaic_0001>

<sc_bundles>
// kernel: kernel.4.cloned.1.call-start
scs
__scs_entry_jumppad:
0x0: {  	(pc) =	sbr.rel $0x88, $3  }
0x1: {  	(tag) =	ssettag $0x0;
	lr =	simm.s32 $0x1  }
0x2: {  	[smem:$0x3F9F] =	sst lr;
	_ =	strace $0xD0000000  }
0x3: {  	_ = 	snop  }
0x4: {  	_ = 	snop  }
0x5: {  	_ = 	snop  }
0x6: {  	_ = 	snop  }
0x7: {  	_ = 	snop  }
__scs_overlays_trampoline_lowered:
0x8: {  	[smem:$0x3FAE] =	sst s0  }
0x9: {  	[smem:$0x3FAF] =	sst s1  }
0xa: {  	[smem:$0x3FB0] =	sst s2  }
0xb: {  	[smem:$0x3FB1] =	sst s3  }
0xc: {  	[smem:$0x3FB2] =	sst s4  }
0xd: {  	[smem:$0x3FB3] =	sst s5  }
0xe: {  	[smem:$0x3FB4] =	sst s6  }
0xf: {  	[smem:$0x3FB5] =	sst s7  }
0x10: {  	[smem:$0x3FB6] =	sst s8  }
0x11: {  	[smem:$0x3FB7] =	sst s9;
	s0 =	simm.s32 @!p0 $0x0  }
0x12: {  	s1 =	sld [smem:$0x3F9D];
	s0 =	simm.s32 @p0 $0x1  }
0x13: {  	[smem:$0x3FB8] =	sst s0;
	s0 =	simm.s32 @!p1 $0x0  }
0x14: {  	s2 =	sld [smem:$0x3F9C];
	s0 =	simm.s32 @p1 $0x1  }
0x15: {  	[smem:$0x3FB9] =	sst s0;
	s0 =	simm.s32 @!p2 $0x0  }
0x16: {  	s3 =	sld [smem:$0x3FDB];
	s0 =	simm.s32 @p2 $0x1  }
0x17: {  	s4 =	simm.s32 $0x1BF5;
	[smem:$0x3FBB] =	sst s0  }
0x18: {  	s0 =	sld [smem:$0x3F9E];
	_ =	swait.ge [sflag:s4], $0x0  }
0x19: {  	s7 =	sld [smem:$0x3F9F]  }
0x1a: {  	s8 =	sadd.s32 $0xFFFFE003, lr  }
0x1b: {  	s9 =	sadd.s32 $0xFFFFFEF7, lr;
	s5 =	simm.s32 $0xFFFFFFFF;
	p2 =	slt.u32 s8, $0xFFFFF086  }
0x1c: {  	p1 =	slt.u32 s9, $0xF7A;
	s5 =	simm.s32 @!p2 $0x0  }
0x1d: {  	s5 =	simm.s32 @p1 $0x1;
	p0 =	seq.s32 s7, s2  }
0x1e: {  	s7 =	smul.u32 @!p0 $0xF7A, s2;
	p2 =	seq.s32 @!p0 s5, $0x0  }
0x1f: {  	s9 =	smul.u32 $0xF7A, s1;
	s8 =	simm.s32 @!p0 $0x1BF5;
	p2 =	por !p2, p0  }
0x20: {  	[sflag:s8] =	ssyncset.s32 @!p0 $0xFFFFF086;
	s6 =	sadd.s32 @!p0 s3, s7;
	s7 =	simm.s32 @!p0 $0x108  }
0x21: {  	s3 =	sadd.s32 s3, s9;
	s6 =	sadd.s32 @!p0 $0x88, s6;
	s7 =	simm.s32 @p2 $0x1082  }
0x22: {  	[simem:s7], [sflag:s8] =	dma.local @!p0 [hbm:s6], $0xF7A  }
0x23: {  	s9 =	sor.u32 $0xD0000000, s2;
	s6 =	simm.s32 $0x108;
	_ =	swait.ge @!p0 [sflag:s8], $0x0  }
0x24: {  	s3 =	sadd.s32 $0x88, s3;
	s6 =	simm.s32 @!p1 $0x1082;
	[sflag:s4] =	ssyncset.s32 $0xFFFFF086  }
0x25: {  	[simem:s6], [sflag:s4] =	dma.local [hbm:s3], $0xF7A  }
0x26: {  	[smem:$0x3F9F] =	sst s1;
	(tag) =	ssettag s2;
	_ =	strace s9  }
0x27: {  	s1 =	sld [smem:$0x3FAF]  }
0x28: {  	s2 =	sld [smem:$0x3FB0]  }
0x29: {  	s4 =	sld [smem:$0x3FB2]  }
0x2a: {  	p0 =	seq.s32 s5, $0x0;
	s5 =	sld [smem:$0x3FB3]  }
0x2b: {  	s6 =	sld [smem:$0x3FB4]  }
0x2c: {  	s7 =	sld [smem:$0x3FB5]  }
0x2d: {  	s3 =	simm.s32 $0x108;
	s8 =	sld [smem:$0x3FB6]  }
0x2e: {  	s3 =	simm.s32 @!p0 $0x1082;
	s9 =	sld [smem:$0x3FB7]  }
0x2f: {  	lr =	sadd.s32 s0, s3;
	s0 =	sld [smem:$0x3FAE]  }
0x30: {  	s3 =	sld [smem:$0x3FB1]  }
0x31: {  	[smem:$0x3FBA] =	sst s10  }
0x32: {  	s10 =	sld [smem:$0x3FB8];
	_ =	sdelay $0x3  }
0x33: {  	p0 =	seq.s32 s10, $0x1;
	s10 =	sld [smem:$0x3FBA];
	_ =	sdelay $0x3  }
0x34: {  	[smem:$0x3FBA] =	sst s10  }
0x35: {  	s10 =	sld [smem:$0x3FB9];
	_ =	sdelay $0x3  }
0x36: {  	p1 =	seq.s32 s10, $0x1;
	s10 =	sld [smem:$0x3FBA];
	_ =	sdelay $0x3  }
0x37: {  	[smem:$0x3FBA] =	sst s10  }
0x38: {  	s10 =	sld [smem:$0x3FBB]  }
0x39: {  	_ = 	snop;
	(pc) =	sbr.ind lr, $3  }
0x3a: {  	_ = 	snop  }
0x3b: {  	_ = 	snop  }
0x3c: {  	p2 =	seq.s32 s10, $0x1;
	s10 =	sld [smem:$0x3FBA]  }
0x3d: {  	_ =	shalt  }
0x3e: {  	_ =	shalt  }
0x3f: {  	_ =	shalt  }
0x40: {  	_ =	shalt  }
0x41: {  	_ =	shalt  }
0x42: {  	_ =	shalt  }
0x43: {  	_ =	shalt  }
0x44: {  	_ =	shalt  }
0x45: {  	_ =	shalt  }
0x46: {  	_ =	shalt  }
0x47: {  	_ =	shalt  }
0x48: {  	_ =	shalt  }
0x49: {  	_ =	shalt  }
0x4a: {  	_ =	shalt  }
0x4b: {  	_ =	shalt  }
0x4c: {  	_ =	shalt  }
0x4d: {  	_ =	shalt  }
0x4e: {  	_ =	shalt  }
0x4f: {  	_ =	shalt  }
0x50: {  	_ =	shalt  }
0x51: {  	_ =	shalt  }
0x52: {  	_ =	shalt  }
0x53: {  	_ =	shalt  }
0x54: {  	_ =	shalt  }
0x55: {  	_ =	shalt  }
0x56: {  	_ =	shalt  }
0x57: {  	_ =	shalt  }
0x58: {  	_ =	shalt  }
0x59: {  	_ =	shalt  }
0x5a: {  	_ =	shalt  }
0x5b: {  	_ =	shalt  }
0x5c: {  	_ =	shalt  }
0x5d: {  	_ =	shalt  }
0x5e: {  	_ =	shalt  }
0x5f: {  	_ =	shalt  }
0x60: {  	_ =	shalt  }
0x61: {  	_ =	shalt  }
0x62: {  	_ =	shalt  }
0x63: {  	_ =	shalt  }
0x64: {  	_ =	shalt  }
0x65: {  	_ =	shalt  }
0x66: {  	_ =	shalt  }
0x67: {  	_ =	shalt  }
0x68: {  	_ =	shalt  }
0x69: {  	_ =	shalt  }
0x6a: {  	_ =	shalt  }
0x6b: {  	_ =	shalt  }
0x6c: {  	_ =	shalt  }
0x6d: {  	_ =	shalt  }
0x6e: {  	_ =	shalt  }
0x6f: {  	_ =	shalt  }
0x70: {  	_ =	shalt  }
0x71: {  	_ =	shalt  }
0x72: {  	_ =	shalt  }
0x73: {  	_ =	shalt  }
0x74: {  	_ =	shalt  }
0x75: {  	_ =	shalt  }
0x76: {  	_ =	shalt  }
0x77: {  	_ =	shalt  }
0x78: {  	_ =	shalt  }
0x79: {  	_ =	shalt  }
0x7a: {  	_ =	shalt  }
0x7b: {  	_ =	shalt  }
0x7c: {  	_ =	shalt  }
0x7d: {  	_ =	shalt  }
0x7e: {  	_ =	shalt  }
0x7f: {  	_ =	shalt  }
0x80: {  	_ =	shalt  }
0x81: {  	_ =	shalt  }
0x82: {  	_ =	shalt  }
0x83: {  	_ =	shalt  }
0x84: {  	_ =	shalt  }
0x85: {  	_ =	shalt  }
0x86: {  	_ =	shalt  }
0x87: {  	_ =	shalt  }
.Lfunc_end0:
.L_simem_size_0:
called_computation.1_lowered:
.L_overlay_start_0:
0x88: {  	s2 =	sld [smem:$0x3FD9]  }
0x89: {  	s3 =	sld [smem:$0x3FFE];
	_ =	sdelay $0x1  }
0x8a: {  	s1 =	srdreg.scid  }
0x8b: {  	s0 =	sand.u32 $0x1, s1  }
0x8c: {  	s17 =	sshll.u32 s0, $0xA;
	s2 =	sadd.s32 s3, s2  }
0x8d: {  	s2 =	sadd.s32 s2, s17  }
0x8e: {  	[smem:$0x3FC6] =	sst s2  }
0x8f: {  	_ = 	snop  }
0x90: {  	s2 =	sld [smem:$0x3FD0];
	(tm) =	ssettm $0x1  }
0x91: {  	s18 =	sld [smem:$0x3FFB];
	_ =	sdelay $0x3  }
0x92: {  	_ =	strace s18  }
0x93: {  	s3 =	sld [smem:$0x3FFC];
	_ =	sdelay $0x3  }
0x94: {  	_ =	strace s3  }
0x95: {  	s3 =	sld [smem:$0x3FFD];
	_ =	sdelay $0x3  }
0x96: {  	_ =	strace s3  }
0x97: {  	_ =	strace $0x8FFFFFFF  }
0x98: {  	s19 =	sld [smem:$0x3FDB];
	_ =	sdelay $0x1  }
0x99: {  	s4 =	simm.s32 $_scs_section_size  }
0x9a: {  	s5 =	simm.s32 $_size__tile_overlayer_lowered;
	s6 =	simm.s32 $_tile_overlayer_lowered  }
0x9b: {  	s22 =	simm.s32 $0x1BFF;
	s21 =	sshll.u32 s6, $0x1;
	s3 =	sadd.s32 s4, s19  }
0x9c: {  	s7 =	simm.s32 $0x0;
	s20 =	sshll.u32 s5, $0x1;
	s5 =	sadd.s32 s21, s3  }
0x9d: {  	[timem:s7], [sflag:s22] =	dma.local [hbm:s5], s20  }
0x9e: {  	_ =	swait.ge [sflag:s22], s20  }
0x9f: {  	s4 =	ssub.s32 $0x0, s20;
	[sflag:s22] =	ssyncset.done $0x0  }
0xa0: {  	[sflag:s22] =	ssyncadd.s32 s4;
	_ =	sdelay $0x1  }
0xa1: {  	s23 =	simm.s32 $0x1B8B  }
0xa2: {  	_ =	swait.ge [sflag:s23], $0x1  }
0xa3: {  	[sflag:s23] =	ssyncset.done $0x0  }
0xa4: {  	s25 =	simm.s32 $0x1B8E;
	s24 =	sld [smem:$0x3FFE];
	[sflag:s23] =	ssyncadd.s32 $0xFFFFFFFF  }
0xa5: {  	s26 =	simm.s32 $execute0_lowered;
	[smem:$0x3FD2] =	sst s25  }
0xa6: {  	s5 =	sshll.u32 s26, $0x1;
	_ =	strace $0x80000046;
	[dreg:$0x1] =	wrdreg $0xFFFFFFFF  }
0xa7: {  	s28 =	simm.s32 $_size_execute0_lowered;
	s3 =	sadd.s32 s3, s5;
	[dreg:$0x0] =	wrdreg $0x0  }
0xa8: {  	s5 =	sshll.u32 s28, $0x1;
	[dreg:$0x2] =	wrdreg s3  }
0xa9: {  	[dreg:$0x3] =	wrdreg s5  }
0xaa: {  	[dreg:$0x4] =	wrdreg $0xC0  }
0xab: {  	_ =	task [dreg:s7], $0x5FFFF  }
0xac: {  	[dreg:$0x1] =	wrdreg $0xFFFFFFFF  }
0xad: {  	[dreg:$0x0] =	wrdreg $0x60  }
0xae: {  	[dreg:$0x2] =	wrdreg s2  }
0xaf: {  	[dreg:$0x3] =	wrdreg s24  }
0xb0: {  	[dreg:$0x4] =	wrdreg $0x9  }
0xb1: {  	_ =	task.clear_ibuf [dreg:s7], $0x5FFFF;
	_ =	strace $0x90000046  }
0xb2: {  	s29 =	simm.s32 $0x9;
	_ =	strace $0x80000048  }
0xb3: {  	_ =	swait.ge [sflag:s29], $0x1  }
0xb4: {  	[sflag:s29] =	ssyncadd.s32 $0xFFFFFFFF  }
0xb5: {  	_ =	strace $0x90000048  }
0xb6: {  	_ =	sfence  }
0xb7: {  	s30 =	sld [smem:$0x0];
	_ =	sdelay $0x2  }
0xb8: {  	s31 =	sshll.u32 s1, $0xD;
	s1 =	sshrl.u32 s1, $0x2  }
0xb9: {  	s3 =	sand.u32 $0x4000, s31;
	s1 =	sadd.s32 s1, s30  }
0xba: {  	s0 =	sor.u32 s3, s0;
	s1 =	sshll.u32 s1, $0x11  }
0xbb: {  	s0 =	sor.u32 s1, s0  }
0xbc: {  	s0 =	sadd.s32 $0x8F2B, s0  }
0xbd: {  	[sflag:s0] =	ssyncadd.remote.s32 $0x1  }
0xbe: {  	_ =	sfence.sel $0xFFFF  }
0xbf: {  	[dreg:$0x0] =	wrdreg $0xFFFFFFFF;
	(pc) =	sbr.abs _section_cstart, $3  }
0xc0: {  	[dreg:$0x1] =	wrdreg $0xFFFFFFFF  }
0xc1: {  	_ =	task.clear_ibuf [dreg:s7], $0x2FFFF;
	_ =	strace $0x9FFFFFFF  }
0xc2: {  	(tm) =	ssettm $0x7FFFFFFF  }
0xc3: {  	_ =	shalt  }
tec
execute0_lowered:
.L_overlay_start_1:
0x0: {  	(tag) =	ssettag $0x1  }
0x1: {  	s0 =	srdreg.scid;
	s2 =	rddreg [dreg:$0x0]  }
0x2: {  	s7 =	stileid.u32;
	s3 =	rddreg [dreg:$0x1]  }
0x3: {  	s5 =	simm.s32 $0x0;
	s11 =	simm.s32 $0x100;
	s12 =	simm.s32 $0x6400  }
0x4: {  	s13 =	simm.s32 $0xA400;
	s14 =	simm.s32 $0xE400;
	s15 =	simm.s32 $0x1  }
0x5: {  	s16 =	simm.s32 $0x40;
	s17 =	simm.s32 $0x80;
	s18 =	simm.s32 $0x12400  }
0x6: {  	s19 =	simm.s32 $0x2;
	s20 =	simm.s32 $0x3;
	s21 =	simm.s32 $0x4  }
0x7: {  	s0 =	sand.u32 $0x1, s0;
	s1 =	sshll.u32 s7, $0x1;
	s4 =	smul.u32 $0xC8000, s7  }
0x8: {  	[smem:$0x7FF] =	sst s5;
	s7 =	smul.u32 $0x640000, s7;
	s8 =	sadd.s32 $0x7A1A00, s3  }
0x9: {  	s3 =	sadd.s32 $0x800, s3;
	s1 =	sor.u32 s0, s1;
	s25 =	smul.u32 $0x64000, s0  }
0xa: {  	_ =	strace $0x80000047;
	s6 =	ssub.s32 $0x2, s0;
	s0 =	smul.u32 $0x320000, s0  }
0xb: {  	s1 =	smul.u32 $0xC80, s1;
	s9 =	sshrl.u32 s6, $0x1;
	s26 =	sadd.s32 s4, s8  }
0xc: {  	s6 =	ssub.s32 s6, s9;
	s28 =	sadd.s32 s25, s26;
	s0 =	sadd.s32 s0, s7  }
0xd: {  	s25 =	simm.s32 $0x8;
	s26 =	simm.s32 $0x0;
	s1 =	sadd.s32 s2, s1  }
0xe: {  	s29 =	smax.u32 s6, $0x1;
	s6 =	sadd.s32 $0x1000, s28;
	s30 =	sor.u32 $0x18000, s0  }
0xf: {  	s31 =	sshrl.u32 s0, $0x3;
	s0 =	sor.u32 $0x10000, s0;
	[dreg:$0x3] =	wrdreg s1  }
0x10: {  	[dreg:$0x4] =	wrdreg s29;
	s1 =	sshrl.u32 s30, $0x3;
	s0 =	sshrl.u32 s0, $0x3  }
0x11: {  	s7 =	sadd.s32 s31, s8;
	s2 =	sadd.s32 s1, s8;
	s9 =	sadd.s32 s0, s8  }
.LBB2_1:
0x12: {  	s0 =	simm.s32 $0x0;
	s1 =	rddreg [dreg:$0x3];
	s22 =	simm.s32 $0x9  }
0x13: {  	[tilespmem:s0], [sflag:$0x9] =	stream.linear.gather [hbm4b:s1+s0], $0x6400, $0x38;
	[tilespmem:$0x16400] =	vst v63  }
0x14: {  	_ =	swait.ge [sflag:s22], $0x6400  }
0x15: {  	[sflag:s22] =	ssyncset.done $0x0  }
0x16: {  	p0 =	por $0x1, $0x1;
	[sflag:s22] =	ssyncadd.s32 $0xFFFF9C00  }
0x17: {  	[tilespmem:s12], [sflag:$0x1] =	stream.indirect.gather [hbm4b:s3+s11], $0x40, s0, s11, $0xb8;
	[tilespmem:$0x16400] =	vst v63  }
0x18: {  	s0 =	simm.s32 @!p0 $0x7  }
0x19: {  	[tilespmem:s13], [sflag:$0x2] =	stream.indirect.gather [hbm4b:s3+s11], $0x40, s11, s11, $0xb8;
	[tilespmem:$0x16400] =	vst v63  }
0x1a: {  	_ =	swait.ge @!p0 [sflag:s0], $0x4000  }
0x1b: {  	[sflag:s0] =	ssyncset.done @!p0 $0x0  }
0x1c: {  	s23 =	simm.s32 $0x200;
	[sflag:s0] =	ssyncadd.s32 @!p0 $0xFFFFC000  }
0x1d: {  	[tilespmem:s14], [sflag:$0x3] =	stream.indirect.gather [hbm4b:s3+s11], $0x40, s23, s11, $0xb8;
	[tilespmem:$0x16400] =	vst v63  }
0x1e: {  	_ =	swait.ge [sflag:s15], $0x4000  }
0x1f: {  	[sflag:s15] =	ssyncset.done $0x0  }
0x20: {  	s0 =	simm.s32 @!p0 $0x8;
	[sflag:s15] =	ssyncadd.s32 $0xFFFFC000  }
0x21: {  	[hbm4b:s7+s16] =	stream.strided.scatter [tilespmem:s12], [sflag:$0x5], $0x4000, s17, s16, $0x38;
	[tilespmem:$0x16400] =	vst v63  }
0x22: {  	_ =	swait.ge @!p0 [sflag:s0], $0x4000  }
0x23: {  	[sflag:s0] =	ssyncset.done @!p0 $0x0  }
0x24: {  	s24 =	simm.s32 $0x300;
	[sflag:s0] =	ssyncadd.s32 @!p0 $0xFFFFC000  }
0x25: {  	[tilespmem:s18], [sflag:$0x4] =	stream.indirect.gather [hbm4b:s3+s11], $0x40, s24, s11, $0xb8;
	[tilespmem:$0x16400] =	vst v63  }
0x26: {  	_ =	swait.ge [sflag:s19], $0x4000  }
0x27: {  	p0 =	por $0x0, $0x0;
	[sflag:s19] =	ssyncset.done $0x0  }
0x28: {  	s0 =	simm.s32 @!p0 $0x5;
	[sflag:s19] =	ssyncadd.s32 $0xFFFFC000  }
0x29: {  	[hbm4b:s6+s16] =	stream.strided.scatter [tilespmem:s13], [sflag:$0x6], $0x4000, s17, s16, $0x38;
	[tilespmem:$0x16400] =	vst v63  }
0x2a: {  	_ =	swait.ge @!p0 [sflag:s0], $0x4000  }
0x2b: {  	s1 =	simm.s32 @!p0 $0x400;
	[sflag:s0] =	ssyncset.done @!p0 $0x0  }
0x2c: {  	s8 =	simm.s32 @!p0 $0x100;
	s28 =	simm.s32 @!p0 $0x6400;
	[sflag:s0] =	ssyncadd.s32 @!p0 $0xFFFFC000  }
0x2d: {  	[tilespmem:s28], [sflag:$0x1] =	stream.indirect.gather @!p0 [hbm4b:s3+s8], $0x40, s1, s8, $0xb8;
	[tilespmem:$0x16400] =	vst v63  }
0x2e: {  	_ =	swait.ge [sflag:s20], $0x4000  }
0x2f: {  	[sflag:s20] =	ssyncset.done $0x0  }
0x30: {  	s1 =	simm.s32 @!p0 $0x6;
	[sflag:s20] =	ssyncadd.s32 $0xFFFFC000  }
0x31: {  	[hbm4b:s9+s16] =	stream.strided.scatter [tilespmem:s14], [sflag:$0x7], $0x4000, s17, s16, $0x38;
	[tilespmem:$0x16400] =	vst v63  }
0x32: {  	s30 =	simm.s32 $0x1000;
	_ =	swait.ge @!p0 [sflag:s1], $0x4000  }
0x33: {  	p1 =	por $0x0, $0x0;
	s31 =	sadd.s32 $0x4000, s6;
	[sflag:s1] =	ssyncset.done @!p0 $0x0  }
0x34: {  	s29 =	simm.s32 @!p0 $0xA400;
	s28 =	simm.s32 @!p0 $0x500;
	[sflag:s1] =	ssyncadd.s32 @!p0 $0xFFFFC000  }
0x35: {  	[tilespmem:s29], [sflag:$0x2] =	stream.indirect.gather @!p0 [hbm4b:s3+s8], $0x40, s28, s8, $0xb8;
	[tilespmem:$0x16400] =	vst v63  }
0x36: {  	s0 =	simm.s32 $0x2000;
	s1 =	sadd.s32 $0x4000, s7;
	s29 =	sadd.s32 $0x4000, s9  }
0x37: {  	s28 =	sadd.s32 $0x4000, s2;
	s8 =	smov.u32 s2;
	_ =	swait.ge [sflag:s21], $0x4000  }
.LBB2_2:
0x38: {  	s4 =	simm.s32 @!p1 $0x7  }
0x39: {  	[sflag:s21] =	ssyncset.done $0x0;
	s5 =	smov.u32 s0;
	s0 =	sadd.s32 $0x1000, s0  }
0x3a: {  	p0 =	sne.s32 s0, $0x19000;
	[sflag:s21] =	ssyncadd.s32 $0xFFFFC000  }
0x3b: {  	[hbm4b:s8+s16] =	stream.strided.scatter [tilespmem:s18], [sflag:$0x8], $0x4000, s17, s16, $0x38;
	[tilespmem:$0x16400] =	vst v63  }
0x3c: {  	s10 =	sshra.s32 s30, $0x2;
	s8 =	smov.u32 s28;
	_ =	swait.ge @!p1 [sflag:s4], $0x4000  }
0x3d: {  	s22 =	sadd.s32 $0x200, s10;
	[sflag:s4] =	ssyncset.done @!p1 $0x0  }
0x3e: {  	[sflag:s4] =	ssyncadd.s32 @!p1 $0xFFFFC000  }
0x3f: {  	[tilespmem:s14], [sflag:$0x3] =	stream.indirect.gather [hbm4b:s3+s11], $0x40, s22, s11, $0xb8;
	[tilespmem:$0x16400] =	vst v63  }
0x40: {  	_ =	swait.ge [sflag:s15], $0x4000  }
0x41: {  	s4 =	simm.s32 @!p1 $0x8;
	[sflag:s15] =	ssyncset.done $0x0  }
0x42: {  	[sflag:s15] =	ssyncadd.s32 $0xFFFFC000  }
0x43: {  	[hbm4b:s1+s16] =	stream.strided.scatter [tilespmem:s12], [sflag:$0x5], $0x4000, s17, s16, $0x38;
	[tilespmem:$0x16400] =	vst v63  }
0x44: {  	_ =	swait.ge @!p1 [sflag:s4], $0x4000  }
0x45: {  	s10 =	sadd.s32 $0x300, s10;
	[sflag:s4] =	ssyncset.done @!p1 $0x0  }
0x46: {  	[sflag:s4] =	ssyncadd.s32 @!p1 $0xFFFFC000  }
0x47: {  	[tilespmem:s18], [sflag:$0x4] =	stream.indirect.gather [hbm4b:s3+s11], $0x40, s10, s11, $0xb8;
	[tilespmem:$0x16400] =	vst v63  }
0x48: {  	_ =	swait.ge [sflag:s19], $0x4000  }
0x49: {  	p1 =	seq.s32 s30, $0x18000;
	[sflag:s19] =	ssyncset.done $0x0  }
0x4a: {  	s4 =	simm.s32 @!p1 $0x5;
	s10 =	sshra.s32 @!p1 s30, $0x2;
	[sflag:s19] =	ssyncadd.s32 $0xFFFFC000  }
0x4b: {  	[hbm4b:s31+s16] =	stream.strided.scatter [tilespmem:s13], [sflag:$0x6], $0x4000, s17, s16, $0x38;
	[tilespmem:$0x16400] =	vst v63  }
0x4c: {  	s22 =	sadd.s32 @!p1 $0x400, s10;
	s10 =	sadd.s32 @!p1 $0x500, s10;
	_ =	swait.ge @!p1 [sflag:s4], $0x4000  }
0x4d: {  	s23 =	simm.s32 @!p1 $0x100;
	s24 =	simm.s32 @!p1 $0x6400;
	[sflag:s4] =	ssyncset.done @!p1 $0x0  }
0x4e: {  	s30 =	smov.u32 s5;
	[sflag:s4] =	ssyncadd.s32 @!p1 $0xFFFFC000  }
0x4f: {  	[tilespmem:s24], [sflag:$0x1] =	stream.indirect.gather @!p1 [hbm4b:s3+s23], $0x40, s22, s23, $0xb8;
	[tilespmem:$0x16400] =	vst v63  }
0x50: {  	_ =	swait.ge [sflag:s20], $0x4000  }
0x51: {  	[sflag:s20] =	ssyncset.done $0x0  }
0x52: {  	s4 =	simm.s32 @!p1 $0x6;
	[sflag:s20] =	ssyncadd.s32 $0xFFFFC000  }
0x53: {  	[hbm4b:s29+s16] =	stream.strided.scatter [tilespmem:s14], [sflag:$0x7], $0x4000, s17, s16, $0x38;
	[tilespmem:$0x16400] =	vst v63  }
.Ltmp0:
0x54: {  	_ =	swait.ge @!p1 [sflag:s4], $0x4000;
	(pc) =	sbr.rel @p0 .LBB2_2-.Ltmp0, $4  }
0x55: {  	s5 =	simm.s32 @!p1 $0xA400;
	s29 =	sadd.s32 $0x4000, s29;
	[sflag:s4] =	ssyncset.done @!p1 $0x0  }
0x56: {  	s28 =	sadd.s32 $0x4000, s28;
	s1 =	sadd.s32 $0x4000, s1;
	[sflag:s4] =	ssyncadd.s32 @!p1 $0xFFFFC000  }
0x57: {  	[tilespmem:s5], [sflag:$0x2] =	stream.indirect.gather @!p1 [hbm4b:s3+s23], $0x40, s10, s23, $0xb8;
	[tilespmem:$0x16400] =	vst v63  }
0x58: {  	s31 =	sadd.s32 $0x4000, s31;
	p1 =	seq.s32 s30, $0x0;
	_ =	swait.ge [sflag:s21], $0x4000  }
0x59: {  	[sflag:s21] =	ssyncset.done $0x0  }
0x5a: {  	s0 =	simm.s32 @!p1 $0x7;
	[sflag:s21] =	ssyncadd.s32 $0xFFFFC000  }
0x5b: {  	[hbm4b:s8+s16] =	stream.strided.scatter [tilespmem:s18], [sflag:$0x8], $0x4000, s17, s16, $0x38;
	[tilespmem:$0x16400] =	vst v63  }
0x5c: {  	_ =	swait.ge @!p1 [sflag:s0], $0x4000  }
0x5d: {  	s4 =	sshra.s32 s30, $0x2;
	[sflag:s0] =	ssyncset.done @!p1 $0x0  }
0x5e: {  	s5 =	sadd.s32 $0x200, s4;
	[sflag:s0] =	ssyncadd.s32 @!p1 $0xFFFFC000  }
0x5f: {  	[tilespmem:s14], [sflag:$0x3] =	stream.indirect.gather [hbm4b:s3+s11], $0x40, s5, s11, $0xb8;
	[tilespmem:$0x16400] =	vst v63  }
0x60: {  	_ =	swait.ge [sflag:s15], $0x4000  }
0x61: {  	[sflag:s15] =	ssyncset.done $0x0  }
0x62: {  	s0 =	simm.s32 @!p1 $0x8;
	[sflag:s15] =	ssyncadd.s32 $0xFFFFC000  }
0x63: {  	[hbm4b:s1+s16] =	stream.strided.scatter [tilespmem:s12], [sflag:$0x5], $0x4000, s17, s16, $0x38;
	[tilespmem:$0x16400] =	vst v63  }
0x64: {  	_ =	swait.ge @!p1 [sflag:s0], $0x4000  }
0x65: {  	[sflag:s0] =	ssyncset.done @!p1 $0x0  }
0x66: {  	s24 =	sadd.s32 $0x300, s4;
	[sflag:s0] =	ssyncadd.s32 @!p1 $0xFFFFC000  }
0x67: {  	[tilespmem:s18], [sflag:$0x4] =	stream.indirect.gather [hbm4b:s3+s11], $0x40, s24, s11, $0xb8;
	[tilespmem:$0x16400] =	vst v63  }
0x68: {  	_ =	swait.ge [sflag:s19], $0x4000  }
0x69: {  	p0 =	seq.s32 s30, $0x18000;
	[sflag:s19] =	ssyncset.done $0x0  }
0x6a: {  	s0 =	simm.s32 @!p0 $0x5;
	[sflag:s19] =	ssyncadd.s32 $0xFFFFC000  }
0x6b: {  	[hbm4b:s31+s16] =	stream.strided.scatter [tilespmem:s13], [sflag:$0x6], $0x4000, s17, s16, $0x38;
	[tilespmem:$0x16400] =	vst v63  }
0x6c: {  	_ =	swait.ge @!p0 [sflag:s0], $0x4000  }
0x6d: {  	s8 =	simm.s32 @!p0 $0x6400;
	s1 =	sshra.s32 @!p0 s30, $0x2;
	[sflag:s0] =	ssyncset.done @!p0 $0x0  }
0x6e: {  	s5 =	simm.s32 @!p0 $0x100;
	s4 =	sadd.s32 @!p0 $0x400, s1;
	[sflag:s0] =	ssyncadd.s32 @!p0 $0xFFFFC000  }
0x6f: {  	[tilespmem:s8], [sflag:$0x1] =	stream.indirect.gather @!p0 [hbm4b:s3+s5], $0x40, s4, s5, $0xb8;
	[tilespmem:$0x16400] =	vst v63  }
0x70: {  	_ =	swait.ge [sflag:s20], $0x4000  }
0x71: {  	[sflag:s20] =	ssyncset.done $0x0  }
0x72: {  	s0 =	simm.s32 @!p0 $0x6;
	[sflag:s20] =	ssyncadd.s32 $0xFFFFC000  }
0x73: {  	[hbm4b:s29+s16] =	stream.strided.scatter [tilespmem:s14], [sflag:$0x7], $0x4000, s17, s16, $0x38;
	[tilespmem:$0x16400] =	vst v63  }
0x74: {  	_ =	swait.ge @!p0 [sflag:s0], $0x4000  }
0x75: {  	[sflag:s0] =	ssyncset.done @!p0 $0x0  }
0x76: {  	s1 =	sadd.s32 @!p0 $0x500, s1;
	s4 =	simm.s32 @!p0 $0xA400;
	[sflag:s0] =	ssyncadd.s32 @!p0 $0xFFFFC000  }
0x77: {  	[tilespmem:s4], [sflag:$0x2] =	stream.indirect.gather @!p0 [hbm4b:s3+s5], $0x40, s1, s5, $0xb8;
	[tilespmem:$0x16400] =	vst v63  }
0x78: {  	_ =	swait.ge [sflag:s21], $0x4000  }
0x79: {  	[sflag:s21] =	ssyncset.done $0x0  }
0x7a: {  	[sflag:s21] =	ssyncadd.s32 $0xFFFFC000  }
0x7b: {  	[hbm4b:s28+s16] =	stream.strided.scatter [tilespmem:s18], [sflag:$0x8], $0x4000, s17, s16, $0x38;
	[tilespmem:$0x16400] =	vst v63  }
0x7c: {  	s28 =	simm.s32 $0x5  }
0x7d: {  	_ =	swait.ge [sflag:s28], $0x4000  }
0x7e: {  	[sflag:s28] =	ssyncset.done $0x0  }
0x7f: {  	s29 =	simm.s32 $0x6;
	[sflag:s28] =	ssyncadd.s32 $0xFFFFC000  }
0x80: {  	_ =	swait.ge [sflag:s29], $0x4000  }
0x81: {  	[sflag:s29] =	ssyncset.done $0x0  }
0x82: {  	s30 =	simm.s32 $0x7;
	[sflag:s29] =	ssyncadd.s32 $0xFFFFC000  }
0x83: {  	_ =	swait.ge [sflag:s30], $0x4000  }
0x84: {  	[sflag:s30] =	ssyncset.done $0x0  }
0x85: {  	[sflag:s30] =	ssyncadd.s32 $0xFFFFC000  }
0x86: {  	_ =	swait.ge [sflag:s25], $0x4000  }
0x87: {  	s26 =	sadd.s32 $0x1, s26;
	s31 =	rddreg [dreg:$0x4]  }
0x88: {  	p0 =	sne.s32 s26, s31  }
.Ltmp1:
0x89: {  	_ = 	snop;
	(pc) =	sbr.rel @p0 .LBB2_1-.Ltmp1, $3  }
0x8a: {  	_ =	sdelay $0x1  }
0x8b: {  	[sflag:s25] =	ssyncset.done $0x0  }
0x8c: {  	[sflag:s25] =	ssyncadd.s32 $0xFFFFC000  }
0x8d: {  	_ =	sfence.sel $0x180000  }
0x8e: {  	[bflag:$0x0] =	sbarrier.arrive $0xFFFF  }
0x8f: {  	_ =	strace $0x90000047  }
0x90: {  	s0 =	stileid.u32;
	[bflag:$0x2] =	sbarrier.arrive $0xFFFF  }
0x91: {  	p0 =	sne.s32 s0, $0x0;
	s0 =	rddreg [dreg:$0x2]  }
0x92: {  	s0 =	sadd.s32 @!p0 $0x100000, s0  }
0x93: {  	[sflag:s0] =	ssyncadd.tile.s32 @!p0 $0x1;
	_ =	shalt  }
.Lfunc_end2:
_tile_overlayer_lowered:
.L_overlay_start_2:
0x94: {  	(tag) =	ssettag $0x2  }
0x95: {  	s0 =	rddreg [dreg:$0x0];
	s2 =	stileid.u32  }
0x96: {  	s1 =	rddreg [dreg:$0x1];
	p0 =	sne.s32 s2, $0x0  }
0x97: {  	s3 =	rddreg [dreg:$0x2];
	[bflag:$0x3] =	sbarrier.arrive $0xFFFF;
	s2 =	simm.s32 @!p0 $0x1C09  }
0x98: {  	[timem:s3], [sflag:s2] =	dma.local @!p0 [hbm:s0], s1  }
0x99: {  	s0 =	simm.s32 @!p0 $0x9  }
0x9a: {  	_ =	swait.ge @!p0 [sflag:s0], s1  }
0x9b: {  	s1 =	ssub.s32 @!p0 $0x0, s1;
	[sflag:s0] =	ssyncset.done @!p0 $0x0  }
0x9c: {  	[sflag:s0] =	ssyncadd.s32 @!p0 s1  }
0x9d: {  	[bflag:$0x3] =	sbarrier.arrive $0xFFFF  }
0x9e: {  	_ =	shalt  }

// kernel: sparse-core-data-format-call.cloned.1.call-start
scs
called_computation_lowered:
.L_overlay_start_0:
0x0: {  	s2 =	sld [smem:$0x3FD9]  }
0x1: {  	s3 =	sld [smem:$0x3FFE];
	_ =	sdelay $0x1  }
0x2: {  	s1 =	srdreg.scid  }
0x3: {  	s0 =	sand.u32 $0x1, s1  }
0x4: {  	s18 =	sshll.u32 s0, $0xA;
	s2 =	sadd.s32 s3, s2  }
0x5: {  	s2 =	sadd.s32 s2, s18  }
0x6: {  	[smem:$0x3FC6] =	sst s2  }
0x7: {  	_ = 	snop  }
0x8: {  	s2 =	sld [smem:$0x3FD0];
	(tm) =	ssettm $0x1  }
0x9: {  	s19 =	sld [smem:$0x3FFB];
	_ =	sdelay $0x3  }
0xa: {  	_ =	strace s19  }
0xb: {  	s3 =	sld [smem:$0x3FFC];
	_ =	sdelay $0x3  }
0xc: {  	_ =	strace s3  }
0xd: {  	s3 =	sld [smem:$0x3FFD];
	_ =	sdelay $0x3  }
0xe: {  	_ =	strace s3  }
0xf: {  	_ =	strace $0x8FFFFFFF  }
0x10: {  	s20 =	sld [smem:$0x3FDB];
	_ =	sdelay $0x1  }
0x11: {  	s4 =	simm.s32 $_scs_section_size  }
0x12: {  	s5 =	simm.s32 $_size__tile_overlayer_lowered;
	s6 =	simm.s32 $_tile_overlayer_lowered  }
0x13: {  	s23 =	simm.s32 $0x1BFF;
	s22 =	sshll.u32 s6, $0x1;
	s3 =	sadd.s32 s4, s20  }
0x14: {  	s7 =	simm.s32 $0x0;
	s21 =	sshll.u32 s5, $0x1;
	s5 =	sadd.s32 s22, s3  }
0x15: {  	[timem:s7], [sflag:s23] =	dma.local [hbm:s5], s21  }
0x16: {  	_ =	swait.ge [sflag:s23], s21  }
0x17: {  	s4 =	ssub.s32 $0x0, s21;
	[sflag:s23] =	ssyncset.done $0x0  }
0x18: {  	[sflag:s23] =	ssyncadd.s32 s4;
	_ =	sdelay $0x1  }
0x19: {  	s24 =	simm.s32 $0x1B8B  }
0x1a: {  	_ =	swait.ge [sflag:s24], $0x1  }
0x1b: {  	[sflag:s24] =	ssyncset.done $0x0  }
0x1c: {  	s26 =	simm.s32 $0x1B8E;
	s25 =	sld [smem:$0x3FFE];
	[sflag:s24] =	ssyncadd.s32 $0xFFFFFFFF  }
0x1d: {  	s27 =	simm.s32 $execute0_lowered;
	[smem:$0x3FD2] =	sst s26  }
0x1e: {  	s5 =	sshll.u32 s27, $0x1;
	_ =	strace $0x80000049;
	[dreg:$0x1] =	wrdreg $0xFFFFFFFF  }
0x1f: {  	s28 =	simm.s32 $_size_execute0_lowered;
	s3 =	sadd.s32 s3, s5;
	[dreg:$0x0] =	wrdreg $0x0  }
0x20: {  	s5 =	sshll.u32 s28, $0x1;
	[dreg:$0x2] =	wrdreg s3  }
0x21: {  	[dreg:$0x3] =	wrdreg s5  }
0x22: {  	[dreg:$0x4] =	wrdreg $0xC0  }
0x23: {  	_ =	task [dreg:s7], $0x5FFFF  }
0x24: {  	[dreg:$0x1] =	wrdreg $0xFFFFFFFF  }
0x25: {  	[dreg:$0x0] =	wrdreg $0x60  }
0x26: {  	[dreg:$0x2] =	wrdreg s25  }
0x27: {  	[dreg:$0x3] =	wrdreg s2  }
0x28: {  	[dreg:$0x4] =	wrdreg $0x9  }
0x29: {  	_ =	task.clear_ibuf [dreg:s7], $0x5FFFF;
	_ =	strace $0x90000049  }
0x2a: {  	s29 =	simm.s32 $0x9;
	_ =	strace $0x8000004B  }
0x2b: {  	_ =	swait.ge [sflag:s29], $0x1  }
0x2c: {  	[sflag:s29] =	ssyncadd.s32 $0xFFFFFFFF  }
0x2d: {  	_ =	strace $0x9000004B  }
0x2e: {  	_ =	sfence  }
0x2f: {  	s30 =	sld [smem:$0x0];
	_ =	sdelay $0x2  }
0x30: {  	s31 =	sshll.u32 s1, $0xD;
	s1 =	sshrl.u32 s1, $0x2  }
0x31: {  	s3 =	sand.u32 $0x4000, s31;
	s1 =	sadd.s32 s1, s30  }
0x32: {  	s0 =	sor.u32 s3, s0;
	s1 =	sshll.u32 s1, $0x11  }
0x33: {  	s0 =	sor.u32 s1, s0  }
0x34: {  	s0 =	sadd.s32 $0x8F2B, s0  }
0x35: {  	[sflag:s0] =	ssyncadd.remote.s32 $0x1  }
0x36: {  	_ =	sfence.sel $0xFFFF  }
0x37: {  	[dreg:$0x0] =	wrdreg $0xFFFFFFFF;
	(pc) =	sbr.abs _section_cstart, $3  }
0x38: {  	[dreg:$0x1] =	wrdreg $0xFFFFFFFF  }
0x39: {  	_ =	task.clear_ibuf [dreg:s7], $0x2FFFF;
	_ =	strace $0x9FFFFFFF  }
0x3a: {  	(tm) =	ssettm $0x7FFFFFFF  }
0x3b: {  	_ =	shalt  }
tec
execute0_lowered:
.L_overlay_start_1:
0x0: {  	(tag) =	ssettag $0x1  }
0x1: {  	s0 =	srdreg.scid  }
0x2: {  	s1 =	sshll.u32 s0, $0x4  }
0x3: {  	s0 =	stileid.u32;
	s1 =	sand.u32 $0x10, s1  }
0x4: {  	s1 =	sor.u32 s0, s1  }
0x5: {  	s6 =	rddreg [dreg:$0x0];
	s4 =	simm.s32 $0x1;
	s2 =	sshll.u32 s1, $0x7  }
0x6: {  	s7 =	simm.s32 $0x2;
	s12 =	simm.s32 $0x0;
	s1 =	ssub.s32 $0x1000, s2  }
0x7: {  	s8 =	simm.s32 $0x8000;
	s13 =	simm.s32 $0x0;
	s3 =	sand.u32 $0xF80, s1  }
0x8: {  	s9 =	simm.s32 $0x0;
	s5 =	sshrl.u32 s1, $0xC;
	p0 =	sne.s32 s3, $0x0  }
.Ltmp0:
0x9: {  	s1 =	rddreg [dreg:$0x2];
	s4 =	simm.s32 @!p0 $0x0;
	(pc) =	sbr.rel .LBB1_1-.Ltmp0, $4  }
0xa: {  	s11 =	simm.s32 $0x0;
	s3 =	rddreg [dreg:$0x1];
	s5 =	sadd.s32 s4, s5  }
0xb: {  	_ =	strace $0x8000004A;
	s4 =	simm.s32 $0x1;
	s5 =	smul.u32 $0xC8, s5  }
0xc: {  	s6 =	sadd.s32 $0x7A1A00, s6;
	s10 =	smov.u32 s2;
	[sflag:s4] =	ssyncpa.u1 $0x0  }
0xd: {  	p0 =	por $0x0, $0x0;
	[sflag:s7] =	ssyncpa.u1 $0x0;
	s7 =	sor.u32 $0x1, s5  }
.LBB1_4:
0xe: {  	s16 =	sshll.u32 s13, $0x3;
	s17 =	sand.u32 $0x78, s13  }
0xf: {  	s30 =	sand.u32 $0x7E00, s13;
	s12 =	sshll.u32 s12, $0xF;
	s16 =	sand.u32 $0xC00, s16  }
0x10: {  	[tilespmem:s15+$0x810 ss:$0x81] =	vst.msk $0xffff, v2;
	s31 =	sand.u32 $0x7, s13;
	s16 =	sor.u32 s17, s16;
	s17 =	sadd.s32 s3, s30  }
0x11: {  	[tilespmem:s15+$0x1020 ss:$0x81] =	vst.msk $0xffff, v0;
	s13 =	sshll.u32 s31, $0x12;
	s12 =	sadd.s32 s12, s17;
	s16 =	sshrl.u32 s16, $0x3  }
0x12: {  	[tilespmem:s15+$0x0 ss:$0x81] =	vst.msk $0xffff, v1;
	s13 =	sor.u32 $0x400, s13;
	s12 =	sadd.s32 s16, s12  }
0x13: {  	[hbm4b:s12+s13] =	stream.strided.scatter [tilespmem:s14], [sflag:$0x2], $0x2000, s8, s13, $0x20;
	[tilespmem:$0x8080] =	vst v63  }
.LBB1_5:
0x14: {  	s14 =	sadd.s32 $0x1, s9  }
0x15: {  	s12 =	sadd.s32 $0x1000, s10;
	s16 =	smov.u32 s10;
	p2 =	sgt.s32 s14, $0xC7  }
0x16: {  	s16 =	smov.u32 @p2 s12  }
0x17: {  	s14 =	simm.s32 @p2 $0x0;
	p2 =	sgt.s32 s16, $0xFFF  }
0x18: {  	s16 =	smov.u32 @p2 s2;
	p2 =	sne.s32 s11, s7  }
.Ltmp1:
0x19: {  	p1 =	slt.u32 s11, $0x2;
	(pc) =	sbr.rel @!p2 .LBB1_6-.Ltmp1, $4  }
0x1a: {  	s15 =	simm.s32 @!p1 $0x2  }
0x1b: {  	s13 =	smov.u32 s10;
	p0 =	por !p0, !p0;
	_ =	swait.ge @!p1 [sflag:s15], $0x2000  }
0x1c: {  	s12 =	smov.u32 s9;
	[sflag:s15] =	ssyncset.done @!p1 $0x0;
	s9 =	smov.u32 s14  }
0x1d: {  	s11 =	sadd.s32 $0x1, s11;
	[sflag:s15] =	ssyncadd.s32 @!p1 $0xFFFFE000;
	s10 =	smov.u32 s16  }
.LBB1_1:
0x1e: {  	p1 =	sge.u32 s11, s5  }
0x1f: {  	s14 =	sand.u32 @!p1 $0x1FFFFFF, s9  }
0x20: {  	s15 =	smulhi.u32 @!p1 $0x147AE15, s14;
	_ =	sdelay $0x1  }
0x21: {  	s15 =	smul.u32 @!p1 $0xC8, s15  }
0x22: {  	s16 =	sxor.u32 @!p1 $0xFFFFFFFF, s11;
	s17 =	smul.u32 @!p1 $0xC80, s10  }
0x23: {  	s31 =	sadd.s32 $0xFFFFFFFF, s11;
	s16 =	sshll.u32 @!p1 s16, $0xD;
	s14 =	ssub.s32 @!p1 s14, s15  }
0x24: {  	s15 =	sand.u32 @!p1 $0x2000, s16;
	s16 =	sadd.s32 @!p1 s6, s17;
	s14 =	sshll.u32 @!p1 s14, $0x4  }
0x25: {  	s17 =	simm.s32 @!p1 $0x6400;
	s14 =	sadd.s32 @!p1 s14, s16;
	s16 =	simm.s32 @!p1 $0x40  }
0x26: {  	[tilespmem:s15], [sflag:$0x1] =	stream.strided.gather @!p1 [hbm4b:s14+s16], $0x2000, s17, s16, $0x38;
	[tilespmem:$0x8080] =	vst v63  }
0x27: {  	p1 =	sge.u32 s31, s5  }
.Ltmp2:
0x28: {  	_ = 	snop;
	(pc) =	sbr.rel @p1 .LBB1_5-.Ltmp2, $1  }
0x29: {  	_ =	sdelay $0x3  }
0x2a: {  	s14 =	simm.s32 $0x1  }
0x2b: {  	_ =	swait.ge [sflag:s4], $0x2000;
	s14 =	simm.s32 @!p0 $0x0  }
0x2c: {  	[sflag:s4] =	ssyncset.done $0x0;
	s15 =	sshll.u32 s14, $0xD  }
0x2d: {  	[sflag:s4] =	ssyncadd.s32 $0xFFFFE000;
	s18 =	sor.u32 $0x20, s15  }
0x2e: {  	s14 =	smul.u32 $0x8100, s14;
	v3 =	vld [tilespmem:s18+$0x10]  }
0x2f: {  	s30 =	sand.u32 $0x1, s11;
	v2 =	vld [tilespmem:s18+$0xFFFFFFF0]  }
0x30: {  	s15 =	smul.u32 $0x8100, s30;
	s14 =	sshrl.u32 s14, $0x2;
	v0 =	vld [tilespmem:s18+$0x0]  }
0x31: {  	v1 =	vld [tilespmem:s18+$0xFFFFFFE0];
	s16 =	sor.u32 $0x4000, s14  }
0x32: {  	s31 =	sshrl.u32 s15, $0x2;
	s15 =	sadd.s32 $0x0, s16  }
0x33: {  	s17 =	simm.s32 $0x4;
	s18 =	sadd.s32 $0x40, s18;
	s14 =	sor.u32 $0x4000, s31;
	[tilespmem:s15+$0x1830 ss:$0x81] =	vst.msk $0xffff, v3  }
.LBB1_3:
0x34: {  	v3 =	vld [tilespmem:s18+$0x10];
	p1 =	sne.s32 s17, $0x1FC;
	[tilespmem:s15+$0x810 ss:$0x81] =	vst.msk $0xffff, v2;
	s19 =	smov.u32 s17;
	s17 =	sadd.s32 $0x4, s17  }
.Ltmp3:
0x35: {  	v2 =	vld [tilespmem:s18+$0xFFFFFFF0];
	[tilespmem:s15+$0x1020 ss:$0x81] =	vst.msk $0xffff, v0;
	(pc) =	sbr.rel @p1 .LBB1_3-.Ltmp3, $4  }
0x36: {  	v0 =	vld [tilespmem:s18+$0x0];
	[tilespmem:s15+$0x0 ss:$0x81] =	vst.msk $0xffff, v1  }
0x37: {  	s15 =	sshra.s32 s19, $0x2;
	v1 =	vld [tilespmem:s18+$0xFFFFFFE0]  }
0x38: {  	s15 =	sadd.s32 s15, s16  }
0x39: {  	s18 =	sadd.s32 $0x40, s18;
	[tilespmem:s15+$0x1830 ss:$0x81] =	vst.msk $0xffff, v3  }
.Ltmp4:
0x3a: {  	_ = 	snop;
	(pc) =	sbr.rel .LBB1_4-.Ltmp4, $1  }
0x3b: {  	_ =	sdelay $0x3  }
.LBB1_6:
0x3c: {  	_ =	sfence.sel $0x180000  }
0x3d: {  	s2 =	simm.s32 $0x1;
	[bflag:$0x0] =	sbarrier.arrive $0xFFFF  }
0x3e: {  	s31 =	simm.s32 $0x2;
	[sflag:s2] =	ssyncpa.u1 $0x1  }
0x3f: {  	[sflag:s31] =	ssyncpa.u1 $0x1  }
0x40: {  	p0 =	sne.s32 s0, $0x0;
	_ =	strace $0x9000004A  }
0x41: {  	s0 =	sadd.s32 @!p0 $0x100000, s1;
	[bflag:$0x2] =	sbarrier.arrive $0xFFFF  }
0x42: {  	[sflag:s0] =	ssyncadd.tile.s32 @!p0 $0x1;
	_ =	shalt  }
.Lfunc_end1:
_tile_overlayer_lowered:
.L_overlay_start_2:
0x43: {  	(tag) =	ssettag $0x2  }
0x44: {  	s0 =	rddreg [dreg:$0x0];
	s2 =	stileid.u32  }
0x45: {  	s1 =	rddreg [dreg:$0x1];
	p0 =	sne.s32 s2, $0x0  }
0x46: {  	s3 =	rddreg [dreg:$0x2];
	[bflag:$0x3] =	sbarrier.arrive $0xFFFF;
	s2 =	simm.s32 @!p0 $0x1C01  }
0x47: {  	[timem:s3], [sflag:s2] =	dma.local @!p0 [hbm:s0], s1  }
0x48: {  	s0 =	simm.s32 @!p0 $0x1  }
0x49: {  	_ =	swait.ge @!p0 [sflag:s0], s1  }
0x4a: {  	s1 =	ssub.s32 @!p0 $0x0, s1;
	[sflag:s0] =	ssyncset.done @!p0 $0x0  }
0x4b: {  	[sflag:s0] =	ssyncadd.s32 @!p0 s1  }
0x4c: {  	[bflag:$0x3] =	sbarrier.arrive $0xFFFF  }
0x4d: {  	_ =	shalt  }

</sc_bundles>
